<compile_context>
chip_gen: v7x
topology: tpu7x:2x2x1
jax: 0.10.2.dev20260603
libtpu: 0.0.44.dev20260713+nightly
codegen_flags: <defaults>
</compile_context>

<pallas_src>
import jax
import jax.numpy as jnp
from jax.experimental import pallas as pl

D_MODEL = 64
_T = 4096
_R = _T // 256
_KM = 32
_KH = 40
_K = 88


def _encoder_block(mid_ref, sid_ref, dur_ref, pe_ref, po_ref,
                   rhs_ref, vw_ref, beta_ref, epsc_ref, out_ref):
    bf16 = jnp.bfloat16
    f32 = jnp.float32
    t2 = _T // 2

    x = jnp.concatenate([
        mid_ref[...].astype(bf16),
        sid_ref[...].astype(bf16),
        dur_ref[...].astype(bf16),
    ], axis=0)
    ye = jnp.dot(x, pe_ref[...], preferred_element_type=f32)
    yo = jnp.dot(x, po_ref[...], preferred_element_type=f32)
    me = ye[0:_R].astype(jnp.int32)
    se = ye[_R:2 * _R].astype(jnp.int32)
    de = ye[2 * _R:3 * _R].astype(bf16)
    mo = yo[0:_R].astype(jnp.int32)
    so = yo[_R:2 * _R].astype(jnp.int32)
    do = yo[2 * _R:3 * _R].astype(bf16)

    rows = jax.lax.broadcasted_iota(jnp.int32, (_KH, 128), 0)
    ohs_e, ohs_o = [], []
    for s in range(_R):
        ohs_e.append(((rows == me[s:s + 1]) | (rows == se[s:s + 1] + _KM)
                      ).astype(bf16))
        ohs_o.append(((rows == mo[s:s + 1]) | (rows == so[s:s + 1] + _KM)
                      ).astype(bf16))
    oh_e = jnp.concatenate(ohs_e, axis=1)
    oh_o = jnp.concatenate(ohs_o, axis=1)
    dur_e = jnp.concatenate([de[s:s + 1] for s in range(_R)], axis=1)
    dur_o = jnp.concatenate([do[s:s + 1] for s in range(_R)], axis=1)
    zero6 = jnp.zeros((6, t2), bf16)
    lhs = jnp.concatenate([dur_e, dur_o, zero6, oh_e, oh_o], axis=0)

    dn = (((0,), (0,)), ((), ()))
    c = jax.lax.dot_general(lhs, rhs_ref[...], dn,
                            preferred_element_type=f32)

    sq = (c * c + epsc_ref[0, 0]).astype(bf16)
    var = jnp.dot(sq, vw_ref[...], preferred_element_type=f32)
    out_ref[...] = c * jax.lax.rsqrt(var) + beta_ref[...]


def kernel(durations, machine_ids, statuses, W_dur, b_dur,
           machine_table, status_table, gamma, beta):
    B, L, _ = durations.shape
    n = B * L
    n2 = n // 2
    nb = n // _T
    t2 = _T // 2
    f32 = jnp.float32
    bf16 = jnp.bfloat16

    mid2 = machine_ids.astype(jnp.int32).reshape(n // 256, 256)
    sid2 = statuses.astype(jnp.int32).reshape(n // 256, 256)
    dur2 = durations.reshape(n // 256, 256)

    i = jnp.arange(256)[:, None]
    j = jnp.arange(128)[None, :]
    pe = (i == 2 * j).astype(bf16)
    po = (i == 2 * j + 1).astype(bf16)

    cmat = (jnp.eye(D_MODEL, dtype=f32)
            - jnp.full((D_MODEL, D_MODEL), 1.0 / D_MODEL, f32)) * gamma
    mtab = jnp.matmul(machine_table, cmat)
    stab = jnp.matmul(status_table + b_dur, cmat)
    wc = jnp.matmul(W_dur, cmat)
    half = jnp.zeros((_KH, D_MODEL), f32)
    half = half.at[:mtab.shape[0]].set(mtab)
    half = half.at[_KM:_KM + stab.shape[0]].set(stab)
    z = jnp.zeros_like(half)
    zw = jnp.zeros_like(wc)
    rhs = jnp.concatenate([
        jnp.concatenate([wc, zw], axis=1),
        jnp.concatenate([zw, wc], axis=1),
        jnp.zeros((6, 2 * D_MODEL), f32),
        jnp.concatenate([half, z], axis=1),
        jnp.concatenate([z, half], axis=1),
    ], axis=0).astype(bf16)

    w1 = 1.0 / (D_MODEL * gamma * gamma)
    wcol = jnp.broadcast_to(w1[:, None], (D_MODEL, D_MODEL))
    zz = jnp.zeros((D_MODEL, D_MODEL), f32)
    vw = jnp.concatenate([
        jnp.concatenate([wcol, zz], axis=1),
        jnp.concatenate([zz, wcol], axis=1),
    ], axis=0).astype(bf16)
    epsc = (1e-5 / jnp.sum(w1)).reshape(1, 1)
    beta2 = jnp.concatenate([beta, beta]).reshape(1, 2 * D_MODEL)

    blk = lambda i: (i, 0)
    full = lambda *shape: pl.BlockSpec(shape, lambda i: (0,) * len(shape))

    out = pl.pallas_call(
        _encoder_block,
        grid=(nb,),
        in_specs=[pl.BlockSpec((_R, 256), blk)] * 3 + [
            full(256, 128),
            full(256, 128),
            full(_K, 2 * D_MODEL),
            full(2 * D_MODEL, 2 * D_MODEL),
            full(1, 2 * D_MODEL),
            full(1, 1),
        ],
        out_specs=pl.BlockSpec((t2, 2 * D_MODEL), lambda i: (i, 0)),
        out_shape=jax.ShapeDtypeStruct((n2, 2 * D_MODEL), f32),
    )(mid2, sid2, dur2, pe, po, rhs, vw, beta2, epsc)

    return out.reshape(B, L, D_MODEL)

# --- scband reference (transcript-rebuilt; emitter-appended) ---
"""Pipeline reference for scband-jsspfeature-encoder-68779606278369 (READ-ONLY COPY).

The authoritative reference and input builder live on the scoring server;
editing this copy changes nothing except your own understanding.
"""

import jax, jax.numpy as jnp
import numpy as np

D_MODEL = 64
MAX_MACHINES = 20
B, L = 4096, 200


def _layer_norm(x, gamma, beta, eps=1e-5):
    m = jnp.mean(x, axis=-1, keepdims=True)
    v = jnp.mean((x - m) ** 2, axis=-1, keepdims=True)
    return (x - m) / jnp.sqrt(v + eps) * gamma + beta


def setup_inputs(seed: int = 0) -> dict:
    key = jax.random.key(seed)
    ks = jax.random.split(key, 8)
    durations = jax.random.uniform(ks[0], (B, L, 1), dtype=jnp.float32)
    machine_ids = jax.random.randint(ks[1], (B, L), 0, MAX_MACHINES + 1, dtype=jnp.int32).astype(jnp.int64)
    statuses = jax.random.randint(ks[2], (B, L), 0, 4, dtype=jnp.int32).astype(jnp.int64)
    W_dur = jax.random.normal(ks[3], (1, D_MODEL), dtype=jnp.float32) * 0.02
    b_dur = jnp.zeros((D_MODEL,), dtype=jnp.float32)
    machine_table = jax.random.normal(ks[4], (MAX_MACHINES + 1, D_MODEL), dtype=jnp.float32) * 0.02
    status_table = jax.random.normal(ks[5], (4, D_MODEL), dtype=jnp.float32) * 0.02
    gamma = jnp.ones((D_MODEL,), dtype=jnp.float32)
    beta = jnp.zeros((D_MODEL,), dtype=jnp.float32)
    return {
        "durations": durations,
        "machine_ids": machine_ids,
        "statuses": statuses,
        "W_dur": W_dur,
        "b_dur": b_dur,
        "machine_table": machine_table,
        "status_table": status_table,
        "gamma": gamma,
        "beta": beta,
    }


def reference(durations, machine_ids, statuses, W_dur, b_dur, machine_table, status_table, gamma, beta):
    dur_emb = jnp.matmul(durations, W_dur) + b_dur  # [B, L, d]
    mach_emb = jnp.take(machine_table, machine_ids, axis=0)  # [B, L, d]
    stat_emb = jnp.take(status_table, statuses, axis=0)  # [B, L, d]
    emb = dur_emb + mach_emb + stat_emb
    return _layer_norm(emb, gamma, beta)

if __name__ == "__main__":
    import jax
    _d = setup_inputs()
    print(jax.jit(kernel)(*tuple(_d.values())))

</pallas_src>

<mosaic_0001>
module attributes {stable_mosaic.version = 14 : i64} {
  func.func @_encoder_block(%arg0: i32, %arg1: memref<16x256xi32, #tpu.memory_space<vmem>>, %arg2: memref<16x256xi32, #tpu.memory_space<vmem>>, %arg3: memref<16x256xf32, #tpu.memory_space<vmem>>, %arg4: memref<256x128xbf16, #tpu.memory_space<vmem>>, %arg5: memref<256x128xbf16, #tpu.memory_space<vmem>>, %arg6: memref<88x128xbf16, #tpu.memory_space<vmem>>, %arg7: memref<128x128xbf16, #tpu.memory_space<vmem>>, %arg8: memref<1x128xf32, #tpu.memory_space<vmem>>, %arg9: memref<1x1xf32, #tpu.memory_space<vmem>>, %arg10: memref<2048x128xf32, #tpu.memory_space<vmem>>) attributes {dimension_semantics = [#tpu.dimension_semantics<arbitrary>], iteration_bounds = array<i64: 200>, scalar_prefetch = 0 : i64, scratch_operands = 0 : i64, tpu.core_type = #tpu.core_type<tc>, window_params = [{transform_indices = @transform_0, window_bounds = array<i64: 16, 256>}, {transform_indices = @transform_1, window_bounds = array<i64: 16, 256>}, {transform_indices = @transform_2, window_bounds = array<i64: 16, 256>}, {pipeline_mode = #tpu.pipeline_mode<synchronous>, transform_indices = @transform_3, window_bounds = array<i64: 256, 128>}, {pipeline_mode = #tpu.pipeline_mode<synchronous>, transform_indices = @transform_4, window_bounds = array<i64: 256, 128>}, {pipeline_mode = #tpu.pipeline_mode<synchronous>, transform_indices = @transform_5, window_bounds = array<i64: 88, 128>}, {pipeline_mode = #tpu.pipeline_mode<synchronous>, transform_indices = @transform_6, window_bounds = array<i64: 128, 128>}, {pipeline_mode = #tpu.pipeline_mode<synchronous>, transform_indices = @transform_7, window_bounds = array<i64: 1, 128>}, {pipeline_mode = #tpu.pipeline_mode<synchronous>, transform_indices = @transform_8, window_bounds = array<i64: 1, 1>}, {transform_indices = @transform_9, window_bounds = array<i64: 2048, 128>}]} {
    %get3A = arith.constant 0 : index
    %get3A_0 = arith.constant 0 : index
    %get3A_1 = vector.load %arg1[%get3A, %get3A_0] : memref<16x256xi32, #tpu.memory_space<vmem>>, vector<16x256xi32>
    %convert_element_type3A = arith.sitofp %get3A_1 : vector<16x256xi32> to vector<16x256xbf16>
    %get3A_2 = arith.constant 0 : index
    %get3A_3 = arith.constant 0 : index
    %get3A_4 = vector.load %arg2[%get3A_2, %get3A_3] : memref<16x256xi32, #tpu.memory_space<vmem>>, vector<16x256xi32>
    %convert_element_type3A_5 = arith.sitofp %get3A_4 : vector<16x256xi32> to vector<16x256xbf16>
    %get3A_6 = arith.constant 0 : index
    %get3A_7 = arith.constant 0 : index
    %get3A_8 = vector.load %arg3[%get3A_6, %get3A_7] : memref<16x256xf32, #tpu.memory_space<vmem>>, vector<16x256xf32>
    %convert_element_type3A_9 = arith.truncf %get3A_8 : vector<16x256xf32> to vector<16x256xbf16>
    %concatenate3A = tpu.concatenate %convert_element_type3A, %convert_element_type3A_5, %convert_element_type3A_9 in 0 : vector<16x256xbf16>, vector<16x256xbf16>, vector<16x256xbf16> -> vector<48x256xbf16>
    %get3A_10 = arith.constant 0 : index
    %get3A_11 = arith.constant 0 : index
    %get3A_12 = vector.load %arg4[%get3A_10, %get3A_11] : memref<256x128xbf16, #tpu.memory_space<vmem>>, vector<256x128xbf16>
    %dot_general3A = arith.constant dense<0.000000e+00> : vector<48x128xf32>
    %dot_general3A_13 = tpu.matmul %concatenate3A, %get3A_12, %dot_general3A {dimension_numbers = #tpu.dot_dimension_numbers<[1], [0], [0], [1], [0, 0, 1, 1], [], []>, transpose_lhs_hint = false} : vector<48x256xbf16>, vector<256x128xbf16>, vector<48x128xf32> -> vector<48x128xf32>
    %get3A_14 = arith.constant 0 : index
    %get3A_15 = arith.constant 0 : index
    %get3A_16 = vector.load %arg5[%get3A_14, %get3A_15] : memref<256x128xbf16, #tpu.memory_space<vmem>>, vector<256x128xbf16>
    %dot_general3A_17 = arith.constant dense<0.000000e+00> : vector<48x128xf32>
    %dot_general3A_18 = tpu.matmul %concatenate3A, %get3A_16, %dot_general3A_17 {dimension_numbers = #tpu.dot_dimension_numbers<[1], [0], [0], [1], [0, 0, 1, 1], [], []>, transpose_lhs_hint = false} : vector<48x256xbf16>, vector<256x128xbf16>, vector<48x128xf32> -> vector<48x128xf32>
    %slice3A = vector.extract_strided_slice %dot_general3A_13 {offsets = [0, 0], sizes = [16, 128], strides = [1, 1]} : vector<48x128xf32> to vector<16x128xf32>
    %convert_element_type3A_19 = arith.fptosi %slice3A : vector<16x128xf32> to vector<16x128xi32>
    %slice3A_20 = vector.extract_strided_slice %dot_general3A_13 {offsets = [16, 0], sizes = [16, 128], strides = [1, 1]} : vector<48x128xf32> to vector<16x128xf32>
    %convert_element_type3A_21 = arith.fptosi %slice3A_20 : vector<16x128xf32> to vector<16x128xi32>
    %slice3A_22 = vector.extract_strided_slice %dot_general3A_13 {offsets = [32, 0], sizes = [16, 128], strides = [1, 1]} : vector<48x128xf32> to vector<16x128xf32>
    %convert_element_type3A_23 = arith.truncf %slice3A_22 : vector<16x128xf32> to vector<16x128xbf16>
    %slice3A_24 = vector.extract_strided_slice %dot_general3A_18 {offsets = [0, 0], sizes = [16, 128], strides = [1, 1]} : vector<48x128xf32> to vector<16x128xf32>
    %convert_element_type3A_25 = arith.fptosi %slice3A_24 : vector<16x128xf32> to vector<16x128xi32>
    %slice3A_26 = vector.extract_strided_slice %dot_general3A_18 {offsets = [16, 0], sizes = [16, 128], strides = [1, 1]} : vector<48x128xf32> to vector<16x128xf32>
    %convert_element_type3A_27 = arith.fptosi %slice3A_26 : vector<16x128xf32> to vector<16x128xi32>
    %slice3A_28 = vector.extract_strided_slice %dot_general3A_18 {offsets = [32, 0], sizes = [16, 128], strides = [1, 1]} : vector<48x128xf32> to vector<16x128xf32>
    %convert_element_type3A_29 = arith.truncf %slice3A_28 : vector<16x128xf32> to vector<16x128xbf16>
    %iota3A = tpu.iota {dimensions = array<i32: 0>} : vector<40x128xi32>
    %slice3A_30 = vector.extract_strided_slice %convert_element_type3A_19 {offsets = [0, 0], sizes = [1, 128], strides = [1, 1]} : vector<16x128xi32> to vector<1x128xi32>
    %eq3A = vector.broadcast %slice3A_30 : vector<1x128xi32> to vector<40x128xi32>
    %eq3A_31 = arith.cmpi eq, %iota3A, %eq3A : vector<40x128xi32>
    %slice3A_32 = vector.extract_strided_slice %convert_element_type3A_21 {offsets = [0, 0], sizes = [1, 128], strides = [1, 1]} : vector<16x128xi32> to vector<1x128xi32>
    %add3A = arith.constant 32 : i32
    %add3A_33 = vector.broadcast %add3A : i32 to vector<1x128xi32>
    %add3A_34 = arith.addi %slice3A_32, %add3A_33 : vector<1x128xi32>
    %eq3A_35 = vector.broadcast %add3A_34 : vector<1x128xi32> to vector<40x128xi32>
    %eq3A_36 = arith.cmpi eq, %iota3A, %eq3A_35 : vector<40x128xi32>
    %or3A = arith.ori %eq3A_31, %eq3A_36 : vector<40x128xi1>
    %convert_element_type3A_37 = arith.extui %or3A : vector<40x128xi1> to vector<40x128xi32>
    %convert_element_type3A_38 = arith.sitofp %convert_element_type3A_37 : vector<40x128xi32> to vector<40x128xf32>
    %convert_element_type3A_39 = arith.truncf %convert_element_type3A_38 : vector<40x128xf32> to vector<40x128xbf16>
    %slice3A_40 = vector.extract_strided_slice %convert_element_type3A_25 {offsets = [0, 0], sizes = [1, 128], strides = [1, 1]} : vector<16x128xi32> to vector<1x128xi32>
    %eq3A_41 = vector.broadcast %slice3A_40 : vector<1x128xi32> to vector<40x128xi32>
    %eq3A_42 = arith.cmpi eq, %iota3A, %eq3A_41 : vector<40x128xi32>
    %slice3A_43 = vector.extract_strided_slice %convert_element_type3A_27 {offsets = [0, 0], sizes = [1, 128], strides = [1, 1]} : vector<16x128xi32> to vector<1x128xi32>
    %add3A_44 = arith.constant 32 : i32
    %add3A_45 = vector.broadcast %add3A_44 : i32 to vector<1x128xi32>
    %add3A_46 = arith.addi %slice3A_43, %add3A_45 : vector<1x128xi32>
    %eq3A_47 = vector.broadcast %add3A_46 : vector<1x128xi32> to vector<40x128xi32>
    %eq3A_48 = arith.cmpi eq, %iota3A, %eq3A_47 : vector<40x128xi32>
    %or3A_49 = arith.ori %eq3A_42, %eq3A_48 : vector<40x128xi1>
    %convert_element_type3A_50 = arith.extui %or3A_49 : vector<40x128xi1> to vector<40x128xi32>
    %convert_element_type3A_51 = arith.sitofp %convert_element_type3A_50 : vector<40x128xi32> to vector<40x128xf32>
    %convert_element_type3A_52 = arith.truncf %convert_element_type3A_51 : vector<40x128xf32> to vector<40x128xbf16>
    %slice3A_53 = vector.extract_strided_slice %convert_element_type3A_19 {offsets = [1, 0], sizes = [1, 128], strides = [1, 1]} : vector<16x128xi32> to vector<1x128xi32>
    %eq3A_54 = vector.broadcast %slice3A_53 : vector<1x128xi32> to vector<40x128xi32>
    %eq3A_55 = arith.cmpi eq, %iota3A, %eq3A_54 : vector<40x128xi32>
    %slice3A_56 = vector.extract_strided_slice %convert_element_type3A_21 {offsets = [1, 0], sizes = [1, 128], strides = [1, 1]} : vector<16x128xi32> to vector<1x128xi32>
    %add3A_57 = arith.constant 32 : i32
    %add3A_58 = vector.broadcast %add3A_57 : i32 to vector<1x128xi32>
    %add3A_59 = arith.addi %slice3A_56, %add3A_58 : vector<1x128xi32>
    %eq3A_60 = vector.broadcast %add3A_59 : vector<1x128xi32> to vector<40x128xi32>
    %eq3A_61 = arith.cmpi eq, %iota3A, %eq3A_60 : vector<40x128xi32>
    %or3A_62 = arith.ori %eq3A_55, %eq3A_61 : vector<40x128xi1>
    %convert_element_type3A_63 = arith.extui %or3A_62 : vector<40x128xi1> to vector<40x128xi32>
    %convert_element_type3A_64 = arith.sitofp %convert_element_type3A_63 : vector<40x128xi32> to vector<40x128xf32>
    %convert_element_type3A_65 = arith.truncf %convert_element_type3A_64 : vector<40x128xf32> to vector<40x128xbf16>
    %slice3A_66 = vector.extract_strided_slice %convert_element_type3A_25 {offsets = [1, 0], sizes = [1, 128], strides = [1, 1]} : vector<16x128xi32> to vector<1x128xi32>
    %eq3A_67 = vector.broadcast %slice3A_66 : vector<1x128xi32> to vector<40x128xi32>
    %eq3A_68 = arith.cmpi eq, %iota3A, %eq3A_67 : vector<40x128xi32>
    %slice3A_69 = vector.extract_strided_slice %convert_element_type3A_27 {offsets = [1, 0], sizes = [1, 128], strides = [1, 1]} : vector<16x128xi32> to vector<1x128xi32>
    %add3A_70 = arith.constant 32 : i32
    %add3A_71 = vector.broadcast %add3A_70 : i32 to vector<1x128xi32>
    %add3A_72 = arith.addi %slice3A_69, %add3A_71 : vector<1x128xi32>
    %eq3A_73 = vector.broadcast %add3A_72 : vector<1x128xi32> to vector<40x128xi32>
    %eq3A_74 = arith.cmpi eq, %iota3A, %eq3A_73 : vector<40x128xi32>
    %or3A_75 = arith.ori %eq3A_68, %eq3A_74 : vector<40x128xi1>
    %convert_element_type3A_76 = arith.extui %or3A_75 : vector<40x128xi1> to vector<40x128xi32>
    %convert_element_type3A_77 = arith.sitofp %convert_element_type3A_76 : vector<40x128xi32> to vector<40x128xf32>
    %convert_element_type3A_78 = arith.truncf %convert_element_type3A_77 : vector<40x128xf32> to vector<40x128xbf16>
    %slice3A_79 = vector.extract_strided_slice %convert_element_type3A_19 {offsets = [2, 0], sizes = [1, 128], strides = [1, 1]} : vector<16x128xi32> to vector<1x128xi32>
    %eq3A_80 = vector.broadcast %slice3A_79 : vector<1x128xi32> to vector<40x128xi32>
    %eq3A_81 = arith.cmpi eq, %iota3A, %eq3A_80 : vector<40x128xi32>
    %slice3A_82 = vector.extract_strided_slice %convert_element_type3A_21 {offsets = [2, 0], sizes = [1, 128], strides = [1, 1]} : vector<16x128xi32> to vector<1x128xi32>
    %add3A_83 = arith.constant 32 : i32
    %add3A_84 = vector.broadcast %add3A_83 : i32 to vector<1x128xi32>
    %add3A_85 = arith.addi %slice3A_82, %add3A_84 : vector<1x128xi32>
    %eq3A_86 = vector.broadcast %add3A_85 : vector<1x128xi32> to vector<40x128xi32>
    %eq3A_87 = arith.cmpi eq, %iota3A, %eq3A_86 : vector<40x128xi32>
    %or3A_88 = arith.ori %eq3A_81, %eq3A_87 : vector<40x128xi1>
    %convert_element_type3A_89 = arith.extui %or3A_88 : vector<40x128xi1> to vector<40x128xi32>
    %convert_element_type3A_90 = arith.sitofp %convert_element_type3A_89 : vector<40x128xi32> to vector<40x128xf32>
    %convert_element_type3A_91 = arith.truncf %convert_element_type3A_90 : vector<40x128xf32> to vector<40x128xbf16>
    %slice3A_92 = vector.extract_strided_slice %convert_element_type3A_25 {offsets = [2, 0], sizes = [1, 128], strides = [1, 1]} : vector<16x128xi32> to vector<1x128xi32>
    %eq3A_93 = vector.broadcast %slice3A_92 : vector<1x128xi32> to vector<40x128xi32>
    %eq3A_94 = arith.cmpi eq, %iota3A, %eq3A_93 : vector<40x128xi32>
    %slice3A_95 = vector.extract_strided_slice %convert_element_type3A_27 {offsets = [2, 0], sizes = [1, 128], strides = [1, 1]} : vector<16x128xi32> to vector<1x128xi32>
    %add3A_96 = arith.constant 32 : i32
    %add3A_97 = vector.broadcast %add3A_96 : i32 to vector<1x128xi32>
    %add3A_98 = arith.addi %slice3A_95, %add3A_97 : vector<1x128xi32>
    %eq3A_99 = vector.broadcast %add3A_98 : vector<1x128xi32> to vector<40x128xi32>
    %eq3A_100 = arith.cmpi eq, %iota3A, %eq3A_99 : vector<40x128xi32>
    %or3A_101 = arith.ori %eq3A_94, %eq3A_100 : vector<40x128xi1>
    %convert_element_type3A_102 = arith.extui %or3A_101 : vector<40x128xi1> to vector<40x128xi32>
    %convert_element_type3A_103 = arith.sitofp %convert_element_type3A_102 : vector<40x128xi32> to vector<40x128xf32>
    %convert_element_type3A_104 = arith.truncf %convert_element_type3A_103 : vector<40x128xf32> to vector<40x128xbf16>
    %slice3A_105 = vector.extract_strided_slice %convert_element_type3A_19 {offsets = [3, 0], sizes = [1, 128], strides = [1, 1]} : vector<16x128xi32> to vector<1x128xi32>
    %eq3A_106 = vector.broadcast %slice3A_105 : vector<1x128xi32> to vector<40x128xi32>
    %eq3A_107 = arith.cmpi eq, %iota3A, %eq3A_106 : vector<40x128xi32>
    %slice3A_108 = vector.extract_strided_slice %convert_element_type3A_21 {offsets = [3, 0], sizes = [1, 128], strides = [1, 1]} : vector<16x128xi32> to vector<1x128xi32>
    %add3A_109 = arith.constant 32 : i32
    %add3A_110 = vector.broadcast %add3A_109 : i32 to vector<1x128xi32>
    %add3A_111 = arith.addi %slice3A_108, %add3A_110 : vector<1x128xi32>
    %eq3A_112 = vector.broadcast %add3A_111 : vector<1x128xi32> to vector<40x128xi32>
    %eq3A_113 = arith.cmpi eq, %iota3A, %eq3A_112 : vector<40x128xi32>
    %or3A_114 = arith.ori %eq3A_107, %eq3A_113 : vector<40x128xi1>
    %convert_element_type3A_115 = arith.extui %or3A_114 : vector<40x128xi1> to vector<40x128xi32>
    %convert_element_type3A_116 = arith.sitofp %convert_element_type3A_115 : vector<40x128xi32> to vector<40x128xf32>
    %convert_element_type3A_117 = arith.truncf %convert_element_type3A_116 : vector<40x128xf32> to vector<40x128xbf16>
    %slice3A_118 = vector.extract_strided_slice %convert_element_type3A_25 {offsets = [3, 0], sizes = [1, 128], strides = [1, 1]} : vector<16x128xi32> to vector<1x128xi32>
    %eq3A_119 = vector.broadcast %slice3A_118 : vector<1x128xi32> to vector<40x128xi32>
    %eq3A_120 = arith.cmpi eq, %iota3A, %eq3A_119 : vector<40x128xi32>
    %slice3A_121 = vector.extract_strided_slice %convert_element_type3A_27 {offsets = [3, 0], sizes = [1, 128], strides = [1, 1]} : vector<16x128xi32> to vector<1x128xi32>
    %add3A_122 = arith.constant 32 : i32
    %add3A_123 = vector.broadcast %add3A_122 : i32 to vector<1x128xi32>
    %add3A_124 = arith.addi %slice3A_121, %add3A_123 : vector<1x128xi32>
    %eq3A_125 = vector.broadcast %add3A_124 : vector<1x128xi32> to vector<40x128xi32>
    %eq3A_126 = arith.cmpi eq, %iota3A, %eq3A_125 : vector<40x128xi32>
    %or3A_127 = arith.ori %eq3A_120, %eq3A_126 : vector<40x128xi1>
    %convert_element_type3A_128 = arith.extui %or3A_127 : vector<40x128xi1> to vector<40x128xi32>
    %convert_element_type3A_129 = arith.sitofp %convert_element_type3A_128 : vector<40x128xi32> to vector<40x128xf32>
    %convert_element_type3A_130 = arith.truncf %convert_element_type3A_129 : vector<40x128xf32> to vector<40x128xbf16>
    %slice3A_131 = vector.extract_strided_slice %convert_element_type3A_19 {offsets = [4, 0], sizes = [1, 128], strides = [1, 1]} : vector<16x128xi32> to vector<1x128xi32>
    %eq3A_132 = vector.broadcast %slice3A_131 : vector<1x128xi32> to vector<40x128xi32>
    %eq3A_133 = arith.cmpi eq, %iota3A, %eq3A_132 : vector<40x128xi32>
    %slice3A_134 = vector.extract_strided_slice %convert_element_type3A_21 {offsets = [4, 0], sizes = [1, 128], strides = [1, 1]} : vector<16x128xi32> to vector<1x128xi32>
    %add3A_135 = arith.constant 32 : i32
    %add3A_136 = vector.broadcast %add3A_135 : i32 to vector<1x128xi32>
    %add3A_137 = arith.addi %slice3A_134, %add3A_136 : vector<1x128xi32>
    %eq3A_138 = vector.broadcast %add3A_137 : vector<1x128xi32> to vector<40x128xi32>
    %eq3A_139 = arith.cmpi eq, %iota3A, %eq3A_138 : vector<40x128xi32>
    %or3A_140 = arith.ori %eq3A_133, %eq3A_139 : vector<40x128xi1>
    %convert_element_type3A_141 = arith.extui %or3A_140 : vector<40x128xi1> to vector<40x128xi32>
    %convert_element_type3A_142 = arith.sitofp %convert_element_type3A_141 : vector<40x128xi32> to vector<40x128xf32>
    %convert_element_type3A_143 = arith.truncf %convert_element_type3A_142 : vector<40x128xf32> to vector<40x128xbf16>
    %slice3A_144 = vector.extract_strided_slice %convert_element_type3A_25 {offsets = [4, 0], sizes = [1, 128], strides = [1, 1]} : vector<16x128xi32> to vector<1x128xi32>
    %eq3A_145 = vector.broadcast %slice3A_144 : vector<1x128xi32> to vector<40x128xi32>
    %eq3A_146 = arith.cmpi eq, %iota3A, %eq3A_145 : vector<40x128xi32>
    %slice3A_147 = vector.extract_strided_slice %convert_element_type3A_27 {offsets = [4, 0], sizes = [1, 128], strides = [1, 1]} : vector<16x128xi32> to vector<1x128xi32>
    %add3A_148 = arith.constant 32 : i32
    %add3A_149 = vector.broadcast %add3A_148 : i32 to vector<1x128xi32>
    %add3A_150 = arith.addi %slice3A_147, %add3A_149 : vector<1x128xi32>
    %eq3A_151 = vector.broadcast %add3A_150 : vector<1x128xi32> to vector<40x128xi32>
    %eq3A_152 = arith.cmpi eq, %iota3A, %eq3A_151 : vector<40x128xi32>
    %or3A_153 = arith.ori %eq3A_146, %eq3A_152 : vector<40x128xi1>
    %convert_element_type3A_154 = arith.extui %or3A_153 : vector<40x128xi1> to vector<40x128xi32>
    %convert_element_type3A_155 = arith.sitofp %convert_element_type3A_154 : vector<40x128xi32> to vector<40x128xf32>
    %convert_element_type3A_156 = arith.truncf %convert_element_type3A_155 : vector<40x128xf32> to vector<40x128xbf16>
    %slice3A_157 = vector.extract_strided_slice %convert_element_type3A_19 {offsets = [5, 0], sizes = [1, 128], strides = [1, 1]} : vector<16x128xi32> to vector<1x128xi32>
    %eq3A_158 = vector.broadcast %slice3A_157 : vector<1x128xi32> to vector<40x128xi32>
    %eq3A_159 = arith.cmpi eq, %iota3A, %eq3A_158 : vector<40x128xi32>
    %slice3A_160 = vector.extract_strided_slice %convert_element_type3A_21 {offsets = [5, 0], sizes = [1, 128], strides = [1, 1]} : vector<16x128xi32> to vector<1x128xi32>
    %add3A_161 = arith.constant 32 : i32
    %add3A_162 = vector.broadcast %add3A_161 : i32 to vector<1x128xi32>
    %add3A_163 = arith.addi %slice3A_160, %add3A_162 : vector<1x128xi32>
    %eq3A_164 = vector.broadcast %add3A_163 : vector<1x128xi32> to vector<40x128xi32>
    %eq3A_165 = arith.cmpi eq, %iota3A, %eq3A_164 : vector<40x128xi32>
    %or3A_166 = arith.ori %eq3A_159, %eq3A_165 : vector<40x128xi1>
    %convert_element_type3A_167 = arith.extui %or3A_166 : vector<40x128xi1> to vector<40x128xi32>
    %convert_element_type3A_168 = arith.sitofp %convert_element_type3A_167 : vector<40x128xi32> to vector<40x128xf32>
    %convert_element_type3A_169 = arith.truncf %convert_element_type3A_168 : vector<40x128xf32> to vector<40x128xbf16>
    %slice3A_170 = vector.extract_strided_slice %convert_element_type3A_25 {offsets = [5, 0], sizes = [1, 128], strides = [1, 1]} : vector<16x128xi32> to vector<1x128xi32>
    %eq3A_171 = vector.broadcast %slice3A_170 : vector<1x128xi32> to vector<40x128xi32>
    %eq3A_172 = arith.cmpi eq, %iota3A, %eq3A_171 : vector<40x128xi32>
    %slice3A_173 = vector.extract_strided_slice %convert_element_type3A_27 {offsets = [5, 0], sizes = [1, 128], strides = [1, 1]} : vector<16x128xi32> to vector<1x128xi32>
    %add3A_174 = arith.constant 32 : i32
    %add3A_175 = vector.broadcast %add3A_174 : i32 to vector<1x128xi32>
    %add3A_176 = arith.addi %slice3A_173, %add3A_175 : vector<1x128xi32>
    %eq3A_177 = vector.broadcast %add3A_176 : vector<1x128xi32> to vector<40x128xi32>
    %eq3A_178 = arith.cmpi eq, %iota3A, %eq3A_177 : vector<40x128xi32>
    %or3A_179 = arith.ori %eq3A_172, %eq3A_178 : vector<40x128xi1>
    %convert_element_type3A_180 = arith.extui %or3A_179 : vector<40x128xi1> to vector<40x128xi32>
    %convert_element_type3A_181 = arith.sitofp %convert_element_type3A_180 : vector<40x128xi32> to vector<40x128xf32>
    %convert_element_type3A_182 = arith.truncf %convert_element_type3A_181 : vector<40x128xf32> to vector<40x128xbf16>
    %slice3A_183 = vector.extract_strided_slice %convert_element_type3A_19 {offsets = [6, 0], sizes = [1, 128], strides = [1, 1]} : vector<16x128xi32> to vector<1x128xi32>
    %eq3A_184 = vector.broadcast %slice3A_183 : vector<1x128xi32> to vector<40x128xi32>
    %eq3A_185 = arith.cmpi eq, %iota3A, %eq3A_184 : vector<40x128xi32>
    %slice3A_186 = vector.extract_strided_slice %convert_element_type3A_21 {offsets = [6, 0], sizes = [1, 128], strides = [1, 1]} : vector<16x128xi32> to vector<1x128xi32>
    %add3A_187 = arith.constant 32 : i32
    %add3A_188 = vector.broadcast %add3A_187 : i32 to vector<1x128xi32>
    %add3A_189 = arith.addi %slice3A_186, %add3A_188 : vector<1x128xi32>
    %eq3A_190 = vector.broadcast %add3A_189 : vector<1x128xi32> to vector<40x128xi32>
    %eq3A_191 = arith.cmpi eq, %iota3A, %eq3A_190 : vector<40x128xi32>
    %or3A_192 = arith.ori %eq3A_185, %eq3A_191 : vector<40x128xi1>
    %convert_element_type3A_193 = arith.extui %or3A_192 : vector<40x128xi1> to vector<40x128xi32>
    %convert_element_type3A_194 = arith.sitofp %convert_element_type3A_193 : vector<40x128xi32> to vector<40x128xf32>
    %convert_element_type3A_195 = arith.truncf %convert_element_type3A_194 : vector<40x128xf32> to vector<40x128xbf16>
    %slice3A_196 = vector.extract_strided_slice %convert_element_type3A_25 {offsets = [6, 0], sizes = [1, 128], strides = [1, 1]} : vector<16x128xi32> to vector<1x128xi32>
    %eq3A_197 = vector.broadcast %slice3A_196 : vector<1x128xi32> to vector<40x128xi32>
    %eq3A_198 = arith.cmpi eq, %iota3A, %eq3A_197 : vector<40x128xi32>
    %slice3A_199 = vector.extract_strided_slice %convert_element_type3A_27 {offsets = [6, 0], sizes = [1, 128], strides = [1, 1]} : vector<16x128xi32> to vector<1x128xi32>
    %add3A_200 = arith.constant 32 : i32
    %add3A_201 = vector.broadcast %add3A_200 : i32 to vector<1x128xi32>
    %add3A_202 = arith.addi %slice3A_199, %add3A_201 : vector<1x128xi32>
    %eq3A_203 = vector.broadcast %add3A_202 : vector<1x128xi32> to vector<40x128xi32>
    %eq3A_204 = arith.cmpi eq, %iota3A, %eq3A_203 : vector<40x128xi32>
    %or3A_205 = arith.ori %eq3A_198, %eq3A_204 : vector<40x128xi1>
    %convert_element_type3A_206 = arith.extui %or3A_205 : vector<40x128xi1> to vector<40x128xi32>
    %convert_element_type3A_207 = arith.sitofp %convert_element_type3A_206 : vector<40x128xi32> to vector<40x128xf32>
    %convert_element_type3A_208 = arith.truncf %convert_element_type3A_207 : vector<40x128xf32> to vector<40x128xbf16>
    %slice3A_209 = vector.extract_strided_slice %convert_element_type3A_19 {offsets = [7, 0], sizes = [1, 128], strides = [1, 1]} : vector<16x128xi32> to vector<1x128xi32>
    %eq3A_210 = vector.broadcast %slice3A_209 : vector<1x128xi32> to vector<40x128xi32>
    %eq3A_211 = arith.cmpi eq, %iota3A, %eq3A_210 : vector<40x128xi32>
    %slice3A_212 = vector.extract_strided_slice %convert_element_type3A_21 {offsets = [7, 0], sizes = [1, 128], strides = [1, 1]} : vector<16x128xi32> to vector<1x128xi32>
    %add3A_213 = arith.constant 32 : i32
    %add3A_214 = vector.broadcast %add3A_213 : i32 to vector<1x128xi32>
    %add3A_215 = arith.addi %slice3A_212, %add3A_214 : vector<1x128xi32>
    %eq3A_216 = vector.broadcast %add3A_215 : vector<1x128xi32> to vector<40x128xi32>
    %eq3A_217 = arith.cmpi eq, %iota3A, %eq3A_216 : vector<40x128xi32>
    %or3A_218 = arith.ori %eq3A_211, %eq3A_217 : vector<40x128xi1>
    %convert_element_type3A_219 = arith.extui %or3A_218 : vector<40x128xi1> to vector<40x128xi32>
    %convert_element_type3A_220 = arith.sitofp %convert_element_type3A_219 : vector<40x128xi32> to vector<40x128xf32>
    %convert_element_type3A_221 = arith.truncf %convert_element_type3A_220 : vector<40x128xf32> to vector<40x128xbf16>
    %slice3A_222 = vector.extract_strided_slice %convert_element_type3A_25 {offsets = [7, 0], sizes = [1, 128], strides = [1, 1]} : vector<16x128xi32> to vector<1x128xi32>
    %eq3A_223 = vector.broadcast %slice3A_222 : vector<1x128xi32> to vector<40x128xi32>
    %eq3A_224 = arith.cmpi eq, %iota3A, %eq3A_223 : vector<40x128xi32>
    %slice3A_225 = vector.extract_strided_slice %convert_element_type3A_27 {offsets = [7, 0], sizes = [1, 128], strides = [1, 1]} : vector<16x128xi32> to vector<1x128xi32>
    %add3A_226 = arith.constant 32 : i32
    %add3A_227 = vector.broadcast %add3A_226 : i32 to vector<1x128xi32>
    %add3A_228 = arith.addi %slice3A_225, %add3A_227 : vector<1x128xi32>
    %eq3A_229 = vector.broadcast %add3A_228 : vector<1x128xi32> to vector<40x128xi32>
    %eq3A_230 = arith.cmpi eq, %iota3A, %eq3A_229 : vector<40x128xi32>
    %or3A_231 = arith.ori %eq3A_224, %eq3A_230 : vector<40x128xi1>
    %convert_element_type3A_232 = arith.extui %or3A_231 : vector<40x128xi1> to vector<40x128xi32>
    %convert_element_type3A_233 = arith.sitofp %convert_element_type3A_232 : vector<40x128xi32> to vector<40x128xf32>
    %convert_element_type3A_234 = arith.truncf %convert_element_type3A_233 : vector<40x128xf32> to vector<40x128xbf16>
    %slice3A_235 = vector.extract_strided_slice %convert_element_type3A_19 {offsets = [8, 0], sizes = [1, 128], strides = [1, 1]} : vector<16x128xi32> to vector<1x128xi32>
    %eq3A_236 = vector.broadcast %slice3A_235 : vector<1x128xi32> to vector<40x128xi32>
    %eq3A_237 = arith.cmpi eq, %iota3A, %eq3A_236 : vector<40x128xi32>
    %slice3A_238 = vector.extract_strided_slice %convert_element_type3A_21 {offsets = [8, 0], sizes = [1, 128], strides = [1, 1]} : vector<16x128xi32> to vector<1x128xi32>
    %add3A_239 = arith.constant 32 : i32
    %add3A_240 = vector.broadcast %add3A_239 : i32 to vector<1x128xi32>
    %add3A_241 = arith.addi %slice3A_238, %add3A_240 : vector<1x128xi32>
    %eq3A_242 = vector.broadcast %add3A_241 : vector<1x128xi32> to vector<40x128xi32>
    %eq3A_243 = arith.cmpi eq, %iota3A, %eq3A_242 : vector<40x128xi32>
    %or3A_244 = arith.ori %eq3A_237, %eq3A_243 : vector<40x128xi1>
    %convert_element_type3A_245 = arith.extui %or3A_244 : vector<40x128xi1> to vector<40x128xi32>
    %convert_element_type3A_246 = arith.sitofp %convert_element_type3A_245 : vector<40x128xi32> to vector<40x128xf32>
    %convert_element_type3A_247 = arith.truncf %convert_element_type3A_246 : vector<40x128xf32> to vector<40x128xbf16>
    %slice3A_248 = vector.extract_strided_slice %convert_element_type3A_25 {offsets = [8, 0], sizes = [1, 128], strides = [1, 1]} : vector<16x128xi32> to vector<1x128xi32>
    %eq3A_249 = vector.broadcast %slice3A_248 : vector<1x128xi32> to vector<40x128xi32>
    %eq3A_250 = arith.cmpi eq, %iota3A, %eq3A_249 : vector<40x128xi32>
    %slice3A_251 = vector.extract_strided_slice %convert_element_type3A_27 {offsets = [8, 0], sizes = [1, 128], strides = [1, 1]} : vector<16x128xi32> to vector<1x128xi32>
    %add3A_252 = arith.constant 32 : i32
    %add3A_253 = vector.broadcast %add3A_252 : i32 to vector<1x128xi32>
    %add3A_254 = arith.addi %slice3A_251, %add3A_253 : vector<1x128xi32>
    %eq3A_255 = vector.broadcast %add3A_254 : vector<1x128xi32> to vector<40x128xi32>
    %eq3A_256 = arith.cmpi eq, %iota3A, %eq3A_255 : vector<40x128xi32>
    %or3A_257 = arith.ori %eq3A_250, %eq3A_256 : vector<40x128xi1>
    %convert_element_type3A_258 = arith.extui %or3A_257 : vector<40x128xi1> to vector<40x128xi32>
    %convert_element_type3A_259 = arith.sitofp %convert_element_type3A_258 : vector<40x128xi32> to vector<40x128xf32>
    %convert_element_type3A_260 = arith.truncf %convert_element_type3A_259 : vector<40x128xf32> to vector<40x128xbf16>
    %slice3A_261 = vector.extract_strided_slice %convert_element_type3A_19 {offsets = [9, 0], sizes = [1, 128], strides = [1, 1]} : vector<16x128xi32> to vector<1x128xi32>
    %eq3A_262 = vector.broadcast %slice3A_261 : vector<1x128xi32> to vector<40x128xi32>
    %eq3A_263 = arith.cmpi eq, %iota3A, %eq3A_262 : vector<40x128xi32>
    %slice3A_264 = vector.extract_strided_slice %convert_element_type3A_21 {offsets = [9, 0], sizes = [1, 128], strides = [1, 1]} : vector<16x128xi32> to vector<1x128xi32>
    %add3A_265 = arith.constant 32 : i32
    %add3A_266 = vector.broadcast %add3A_265 : i32 to vector<1x128xi32>
    %add3A_267 = arith.addi %slice3A_264, %add3A_266 : vector<1x128xi32>
    %eq3A_268 = vector.broadcast %add3A_267 : vector<1x128xi32> to vector<40x128xi32>
    %eq3A_269 = arith.cmpi eq, %iota3A, %eq3A_268 : vector<40x128xi32>
    %or3A_270 = arith.ori %eq3A_263, %eq3A_269 : vector<40x128xi1>
    %convert_element_type3A_271 = arith.extui %or3A_270 : vector<40x128xi1> to vector<40x128xi32>
    %convert_element_type3A_272 = arith.sitofp %convert_element_type3A_271 : vector<40x128xi32> to vector<40x128xf32>
    %convert_element_type3A_273 = arith.truncf %convert_element_type3A_272 : vector<40x128xf32> to vector<40x128xbf16>
    %slice3A_274 = vector.extract_strided_slice %convert_element_type3A_25 {offsets = [9, 0], sizes = [1, 128], strides = [1, 1]} : vector<16x128xi32> to vector<1x128xi32>
    %eq3A_275 = vector.broadcast %slice3A_274 : vector<1x128xi32> to vector<40x128xi32>
    %eq3A_276 = arith.cmpi eq, %iota3A, %eq3A_275 : vector<40x128xi32>
    %slice3A_277 = vector.extract_strided_slice %convert_element_type3A_27 {offsets = [9, 0], sizes = [1, 128], strides = [1, 1]} : vector<16x128xi32> to vector<1x128xi32>
    %add3A_278 = arith.constant 32 : i32
    %add3A_279 = vector.broadcast %add3A_278 : i32 to vector<1x128xi32>
    %add3A_280 = arith.addi %slice3A_277, %add3A_279 : vector<1x128xi32>
    %eq3A_281 = vector.broadcast %add3A_280 : vector<1x128xi32> to vector<40x128xi32>
    %eq3A_282 = arith.cmpi eq, %iota3A, %eq3A_281 : vector<40x128xi32>
    %or3A_283 = arith.ori %eq3A_276, %eq3A_282 : vector<40x128xi1>
    %convert_element_type3A_284 = arith.extui %or3A_283 : vector<40x128xi1> to vector<40x128xi32>
    %convert_element_type3A_285 = arith.sitofp %convert_element_type3A_284 : vector<40x128xi32> to vector<40x128xf32>
    %convert_element_type3A_286 = arith.truncf %convert_element_type3A_285 : vector<40x128xf32> to vector<40x128xbf16>
    %slice3A_287 = vector.extract_strided_slice %convert_element_type3A_19 {offsets = [10, 0], sizes = [1, 128], strides = [1, 1]} : vector<16x128xi32> to vector<1x128xi32>
    %eq3A_288 = vector.broadcast %slice3A_287 : vector<1x128xi32> to vector<40x128xi32>
    %eq3A_289 = arith.cmpi eq, %iota3A, %eq3A_288 : vector<40x128xi32>
    %slice3A_290 = vector.extract_strided_slice %convert_element_type3A_21 {offsets = [10, 0], sizes = [1, 128], strides = [1, 1]} : vector<16x128xi32> to vector<1x128xi32>
    %add3A_291 = arith.constant 32 : i32
    %add3A_292 = vector.broadcast %add3A_291 : i32 to vector<1x128xi32>
    %add3A_293 = arith.addi %slice3A_290, %add3A_292 : vector<1x128xi32>
    %eq3A_294 = vector.broadcast %add3A_293 : vector<1x128xi32> to vector<40x128xi32>
    %eq3A_295 = arith.cmpi eq, %iota3A, %eq3A_294 : vector<40x128xi32>
    %or3A_296 = arith.ori %eq3A_289, %eq3A_295 : vector<40x128xi1>
    %convert_element_type3A_297 = arith.extui %or3A_296 : vector<40x128xi1> to vector<40x128xi32>
    %convert_element_type3A_298 = arith.sitofp %convert_element_type3A_297 : vector<40x128xi32> to vector<40x128xf32>
    %convert_element_type3A_299 = arith.truncf %convert_element_type3A_298 : vector<40x128xf32> to vector<40x128xbf16>
    %slice3A_300 = vector.extract_strided_slice %convert_element_type3A_25 {offsets = [10, 0], sizes = [1, 128], strides = [1, 1]} : vector<16x128xi32> to vector<1x128xi32>
    %eq3A_301 = vector.broadcast %slice3A_300 : vector<1x128xi32> to vector<40x128xi32>
    %eq3A_302 = arith.cmpi eq, %iota3A, %eq3A_301 : vector<40x128xi32>
    %slice3A_303 = vector.extract_strided_slice %convert_element_type3A_27 {offsets = [10, 0], sizes = [1, 128], strides = [1, 1]} : vector<16x128xi32> to vector<1x128xi32>
    %add3A_304 = arith.constant 32 : i32
    %add3A_305 = vector.broadcast %add3A_304 : i32 to vector<1x128xi32>
    %add3A_306 = arith.addi %slice3A_303, %add3A_305 : vector<1x128xi32>
    %eq3A_307 = vector.broadcast %add3A_306 : vector<1x128xi32> to vector<40x128xi32>
    %eq3A_308 = arith.cmpi eq, %iota3A, %eq3A_307 : vector<40x128xi32>
    %or3A_309 = arith.ori %eq3A_302, %eq3A_308 : vector<40x128xi1>
    %convert_element_type3A_310 = arith.extui %or3A_309 : vector<40x128xi1> to vector<40x128xi32>
    %convert_element_type3A_311 = arith.sitofp %convert_element_type3A_310 : vector<40x128xi32> to vector<40x128xf32>
    %convert_element_type3A_312 = arith.truncf %convert_element_type3A_311 : vector<40x128xf32> to vector<40x128xbf16>
    %slice3A_313 = vector.extract_strided_slice %convert_element_type3A_19 {offsets = [11, 0], sizes = [1, 128], strides = [1, 1]} : vector<16x128xi32> to vector<1x128xi32>
    %eq3A_314 = vector.broadcast %slice3A_313 : vector<1x128xi32> to vector<40x128xi32>
    %eq3A_315 = arith.cmpi eq, %iota3A, %eq3A_314 : vector<40x128xi32>
    %slice3A_316 = vector.extract_strided_slice %convert_element_type3A_21 {offsets = [11, 0], sizes = [1, 128], strides = [1, 1]} : vector<16x128xi32> to vector<1x128xi32>
    %add3A_317 = arith.constant 32 : i32
    %add3A_318 = vector.broadcast %add3A_317 : i32 to vector<1x128xi32>
    %add3A_319 = arith.addi %slice3A_316, %add3A_318 : vector<1x128xi32>
    %eq3A_320 = vector.broadcast %add3A_319 : vector<1x128xi32> to vector<40x128xi32>
    %eq3A_321 = arith.cmpi eq, %iota3A, %eq3A_320 : vector<40x128xi32>
    %or3A_322 = arith.ori %eq3A_315, %eq3A_321 : vector<40x128xi1>
    %convert_element_type3A_323 = arith.extui %or3A_322 : vector<40x128xi1> to vector<40x128xi32>
    %convert_element_type3A_324 = arith.sitofp %convert_element_type3A_323 : vector<40x128xi32> to vector<40x128xf32>
    %convert_element_type3A_325 = arith.truncf %convert_element_type3A_324 : vector<40x128xf32> to vector<40x128xbf16>
    %slice3A_326 = vector.extract_strided_slice %convert_element_type3A_25 {offsets = [11, 0], sizes = [1, 128], strides = [1, 1]} : vector<16x128xi32> to vector<1x128xi32>
    %eq3A_327 = vector.broadcast %slice3A_326 : vector<1x128xi32> to vector<40x128xi32>
    %eq3A_328 = arith.cmpi eq, %iota3A, %eq3A_327 : vector<40x128xi32>
    %slice3A_329 = vector.extract_strided_slice %convert_element_type3A_27 {offsets = [11, 0], sizes = [1, 128], strides = [1, 1]} : vector<16x128xi32> to vector<1x128xi32>
    %add3A_330 = arith.constant 32 : i32
    %add3A_331 = vector.broadcast %add3A_330 : i32 to vector<1x128xi32>
    %add3A_332 = arith.addi %slice3A_329, %add3A_331 : vector<1x128xi32>
    %eq3A_333 = vector.broadcast %add3A_332 : vector<1x128xi32> to vector<40x128xi32>
    %eq3A_334 = arith.cmpi eq, %iota3A, %eq3A_333 : vector<40x128xi32>
    %or3A_335 = arith.ori %eq3A_328, %eq3A_334 : vector<40x128xi1>
    %convert_element_type3A_336 = arith.extui %or3A_335 : vector<40x128xi1> to vector<40x128xi32>
    %convert_element_type3A_337 = arith.sitofp %convert_element_type3A_336 : vector<40x128xi32> to vector<40x128xf32>
    %convert_element_type3A_338 = arith.truncf %convert_element_type3A_337 : vector<40x128xf32> to vector<40x128xbf16>
    %slice3A_339 = vector.extract_strided_slice %convert_element_type3A_19 {offsets = [12, 0], sizes = [1, 128], strides = [1, 1]} : vector<16x128xi32> to vector<1x128xi32>
    %eq3A_340 = vector.broadcast %slice3A_339 : vector<1x128xi32> to vector<40x128xi32>
    %eq3A_341 = arith.cmpi eq, %iota3A, %eq3A_340 : vector<40x128xi32>
    %slice3A_342 = vector.extract_strided_slice %convert_element_type3A_21 {offsets = [12, 0], sizes = [1, 128], strides = [1, 1]} : vector<16x128xi32> to vector<1x128xi32>
    %add3A_343 = arith.constant 32 : i32
    %add3A_344 = vector.broadcast %add3A_343 : i32 to vector<1x128xi32>
    %add3A_345 = arith.addi %slice3A_342, %add3A_344 : vector<1x128xi32>
    %eq3A_346 = vector.broadcast %add3A_345 : vector<1x128xi32> to vector<40x128xi32>
    %eq3A_347 = arith.cmpi eq, %iota3A, %eq3A_346 : vector<40x128xi32>
    %or3A_348 = arith.ori %eq3A_341, %eq3A_347 : vector<40x128xi1>
    %convert_element_type3A_349 = arith.extui %or3A_348 : vector<40x128xi1> to vector<40x128xi32>
    %convert_element_type3A_350 = arith.sitofp %convert_element_type3A_349 : vector<40x128xi32> to vector<40x128xf32>
    %convert_element_type3A_351 = arith.truncf %convert_element_type3A_350 : vector<40x128xf32> to vector<40x128xbf16>
    %slice3A_352 = vector.extract_strided_slice %convert_element_type3A_25 {offsets = [12, 0], sizes = [1, 128], strides = [1, 1]} : vector<16x128xi32> to vector<1x128xi32>
    %eq3A_353 = vector.broadcast %slice3A_352 : vector<1x128xi32> to vector<40x128xi32>
    %eq3A_354 = arith.cmpi eq, %iota3A, %eq3A_353 : vector<40x128xi32>
    %slice3A_355 = vector.extract_strided_slice %convert_element_type3A_27 {offsets = [12, 0], sizes = [1, 128], strides = [1, 1]} : vector<16x128xi32> to vector<1x128xi32>
    %add3A_356 = arith.constant 32 : i32
    %add3A_357 = vector.broadcast %add3A_356 : i32 to vector<1x128xi32>
    %add3A_358 = arith.addi %slice3A_355, %add3A_357 : vector<1x128xi32>
    %eq3A_359 = vector.broadcast %add3A_358 : vector<1x128xi32> to vector<40x128xi32>
    %eq3A_360 = arith.cmpi eq, %iota3A, %eq3A_359 : vector<40x128xi32>
    %or3A_361 = arith.ori %eq3A_354, %eq3A_360 : vector<40x128xi1>
    %convert_element_type3A_362 = arith.extui %or3A_361 : vector<40x128xi1> to vector<40x128xi32>
    %convert_element_type3A_363 = arith.sitofp %convert_element_type3A_362 : vector<40x128xi32> to vector<40x128xf32>
    %convert_element_type3A_364 = arith.truncf %convert_element_type3A_363 : vector<40x128xf32> to vector<40x128xbf16>
    %slice3A_365 = vector.extract_strided_slice %convert_element_type3A_19 {offsets = [13, 0], sizes = [1, 128], strides = [1, 1]} : vector<16x128xi32> to vector<1x128xi32>
    %eq3A_366 = vector.broadcast %slice3A_365 : vector<1x128xi32> to vector<40x128xi32>
    %eq3A_367 = arith.cmpi eq, %iota3A, %eq3A_366 : vector<40x128xi32>
    %slice3A_368 = vector.extract_strided_slice %convert_element_type3A_21 {offsets = [13, 0], sizes = [1, 128], strides = [1, 1]} : vector<16x128xi32> to vector<1x128xi32>
    %add3A_369 = arith.constant 32 : i32
    %add3A_370 = vector.broadcast %add3A_369 : i32 to vector<1x128xi32>
    %add3A_371 = arith.addi %slice3A_368, %add3A_370 : vector<1x128xi32>
    %eq3A_372 = vector.broadcast %add3A_371 : vector<1x128xi32> to vector<40x128xi32>
    %eq3A_373 = arith.cmpi eq, %iota3A, %eq3A_372 : vector<40x128xi32>
    %or3A_374 = arith.ori %eq3A_367, %eq3A_373 : vector<40x128xi1>
    %convert_element_type3A_375 = arith.extui %or3A_374 : vector<40x128xi1> to vector<40x128xi32>
    %convert_element_type3A_376 = arith.sitofp %convert_element_type3A_375 : vector<40x128xi32> to vector<40x128xf32>
    %convert_element_type3A_377 = arith.truncf %convert_element_type3A_376 : vector<40x128xf32> to vector<40x128xbf16>
    %slice3A_378 = vector.extract_strided_slice %convert_element_type3A_25 {offsets = [13, 0], sizes = [1, 128], strides = [1, 1]} : vector<16x128xi32> to vector<1x128xi32>
    %eq3A_379 = vector.broadcast %slice3A_378 : vector<1x128xi32> to vector<40x128xi32>
    %eq3A_380 = arith.cmpi eq, %iota3A, %eq3A_379 : vector<40x128xi32>
    %slice3A_381 = vector.extract_strided_slice %convert_element_type3A_27 {offsets = [13, 0], sizes = [1, 128], strides = [1, 1]} : vector<16x128xi32> to vector<1x128xi32>
    %add3A_382 = arith.constant 32 : i32
    %add3A_383 = vector.broadcast %add3A_382 : i32 to vector<1x128xi32>
    %add3A_384 = arith.addi %slice3A_381, %add3A_383 : vector<1x128xi32>
    %eq3A_385 = vector.broadcast %add3A_384 : vector<1x128xi32> to vector<40x128xi32>
    %eq3A_386 = arith.cmpi eq, %iota3A, %eq3A_385 : vector<40x128xi32>
    %or3A_387 = arith.ori %eq3A_380, %eq3A_386 : vector<40x128xi1>
    %convert_element_type3A_388 = arith.extui %or3A_387 : vector<40x128xi1> to vector<40x128xi32>
    %convert_element_type3A_389 = arith.sitofp %convert_element_type3A_388 : vector<40x128xi32> to vector<40x128xf32>
    %convert_element_type3A_390 = arith.truncf %convert_element_type3A_389 : vector<40x128xf32> to vector<40x128xbf16>
    %slice3A_391 = vector.extract_strided_slice %convert_element_type3A_19 {offsets = [14, 0], sizes = [1, 128], strides = [1, 1]} : vector<16x128xi32> to vector<1x128xi32>
    %eq3A_392 = vector.broadcast %slice3A_391 : vector<1x128xi32> to vector<40x128xi32>
    %eq3A_393 = arith.cmpi eq, %iota3A, %eq3A_392 : vector<40x128xi32>
    %slice3A_394 = vector.extract_strided_slice %convert_element_type3A_21 {offsets = [14, 0], sizes = [1, 128], strides = [1, 1]} : vector<16x128xi32> to vector<1x128xi32>
    %add3A_395 = arith.constant 32 : i32
    %add3A_396 = vector.broadcast %add3A_395 : i32 to vector<1x128xi32>
    %add3A_397 = arith.addi %slice3A_394, %add3A_396 : vector<1x128xi32>
    %eq3A_398 = vector.broadcast %add3A_397 : vector<1x128xi32> to vector<40x128xi32>
    %eq3A_399 = arith.cmpi eq, %iota3A, %eq3A_398 : vector<40x128xi32>
    %or3A_400 = arith.ori %eq3A_393, %eq3A_399 : vector<40x128xi1>
    %convert_element_type3A_401 = arith.extui %or3A_400 : vector<40x128xi1> to vector<40x128xi32>
    %convert_element_type3A_402 = arith.sitofp %convert_element_type3A_401 : vector<40x128xi32> to vector<40x128xf32>
    %convert_element_type3A_403 = arith.truncf %convert_element_type3A_402 : vector<40x128xf32> to vector<40x128xbf16>
    %slice3A_404 = vector.extract_strided_slice %convert_element_type3A_25 {offsets = [14, 0], sizes = [1, 128], strides = [1, 1]} : vector<16x128xi32> to vector<1x128xi32>
    %eq3A_405 = vector.broadcast %slice3A_404 : vector<1x128xi32> to vector<40x128xi32>
    %eq3A_406 = arith.cmpi eq, %iota3A, %eq3A_405 : vector<40x128xi32>
    %slice3A_407 = vector.extract_strided_slice %convert_element_type3A_27 {offsets = [14, 0], sizes = [1, 128], strides = [1, 1]} : vector<16x128xi32> to vector<1x128xi32>
    %add3A_408 = arith.constant 32 : i32
    %add3A_409 = vector.broadcast %add3A_408 : i32 to vector<1x128xi32>
    %add3A_410 = arith.addi %slice3A_407, %add3A_409 : vector<1x128xi32>
    %eq3A_411 = vector.broadcast %add3A_410 : vector<1x128xi32> to vector<40x128xi32>
    %eq3A_412 = arith.cmpi eq, %iota3A, %eq3A_411 : vector<40x128xi32>
    %or3A_413 = arith.ori %eq3A_406, %eq3A_412 : vector<40x128xi1>
    %convert_element_type3A_414 = arith.extui %or3A_413 : vector<40x128xi1> to vector<40x128xi32>
    %convert_element_type3A_415 = arith.sitofp %convert_element_type3A_414 : vector<40x128xi32> to vector<40x128xf32>
    %convert_element_type3A_416 = arith.truncf %convert_element_type3A_415 : vector<40x128xf32> to vector<40x128xbf16>
    %slice3A_417 = vector.extract_strided_slice %convert_element_type3A_19 {offsets = [15, 0], sizes = [1, 128], strides = [1, 1]} : vector<16x128xi32> to vector<1x128xi32>
    %eq3A_418 = vector.broadcast %slice3A_417 : vector<1x128xi32> to vector<40x128xi32>
    %eq3A_419 = arith.cmpi eq, %iota3A, %eq3A_418 : vector<40x128xi32>
    %slice3A_420 = vector.extract_strided_slice %convert_element_type3A_21 {offsets = [15, 0], sizes = [1, 128], strides = [1, 1]} : vector<16x128xi32> to vector<1x128xi32>
    %add3A_421 = arith.constant 32 : i32
    %add3A_422 = vector.broadcast %add3A_421 : i32 to vector<1x128xi32>
    %add3A_423 = arith.addi %slice3A_420, %add3A_422 : vector<1x128xi32>
    %eq3A_424 = vector.broadcast %add3A_423 : vector<1x128xi32> to vector<40x128xi32>
    %eq3A_425 = arith.cmpi eq, %iota3A, %eq3A_424 : vector<40x128xi32>
    %or3A_426 = arith.ori %eq3A_419, %eq3A_425 : vector<40x128xi1>
    %convert_element_type3A_427 = arith.extui %or3A_426 : vector<40x128xi1> to vector<40x128xi32>
    %convert_element_type3A_428 = arith.sitofp %convert_element_type3A_427 : vector<40x128xi32> to vector<40x128xf32>
    %convert_element_type3A_429 = arith.truncf %convert_element_type3A_428 : vector<40x128xf32> to vector<40x128xbf16>
    %slice3A_430 = vector.extract_strided_slice %convert_element_type3A_25 {offsets = [15, 0], sizes = [1, 128], strides = [1, 1]} : vector<16x128xi32> to vector<1x128xi32>
    %eq3A_431 = vector.broadcast %slice3A_430 : vector<1x128xi32> to vector<40x128xi32>
    %eq3A_432 = arith.cmpi eq, %iota3A, %eq3A_431 : vector<40x128xi32>
    %slice3A_433 = vector.extract_strided_slice %convert_element_type3A_27 {offsets = [15, 0], sizes = [1, 128], strides = [1, 1]} : vector<16x128xi32> to vector<1x128xi32>
    %add3A_434 = arith.constant 32 : i32
    %add3A_435 = vector.broadcast %add3A_434 : i32 to vector<1x128xi32>
    %add3A_436 = arith.addi %slice3A_433, %add3A_435 : vector<1x128xi32>
    %eq3A_437 = vector.broadcast %add3A_436 : vector<1x128xi32> to vector<40x128xi32>
    %eq3A_438 = arith.cmpi eq, %iota3A, %eq3A_437 : vector<40x128xi32>
    %or3A_439 = arith.ori %eq3A_432, %eq3A_438 : vector<40x128xi1>
    %convert_element_type3A_440 = arith.extui %or3A_439 : vector<40x128xi1> to vector<40x128xi32>
    %convert_element_type3A_441 = arith.sitofp %convert_element_type3A_440 : vector<40x128xi32> to vector<40x128xf32>
    %convert_element_type3A_442 = arith.truncf %convert_element_type3A_441 : vector<40x128xf32> to vector<40x128xbf16>
    %concatenate3A_443 = tpu.concatenate %convert_element_type3A_39, %convert_element_type3A_65, %convert_element_type3A_91, %convert_element_type3A_117, %convert_element_type3A_143, %convert_element_type3A_169, %convert_element_type3A_195, %convert_element_type3A_221, %convert_element_type3A_247, %convert_element_type3A_273, %convert_element_type3A_299, %convert_element_type3A_325, %convert_element_type3A_351, %convert_element_type3A_377, %convert_element_type3A_403, %convert_element_type3A_429 in 1 : vector<40x128xbf16>, vector<40x128xbf16>, vector<40x128xbf16>, vector<40x128xbf16>, vector<40x128xbf16>, vector<40x128xbf16>, vector<40x128xbf16>, vector<40x128xbf16>, vector<40x128xbf16>, vector<40x128xbf16>, vector<40x128xbf16>, vector<40x128xbf16>, vector<40x128xbf16>, vector<40x128xbf16>, vector<40x128xbf16>, vector<40x128xbf16> -> vector<40x2048xbf16>
    %concatenate3A_444 = tpu.concatenate %convert_element_type3A_52, %convert_element_type3A_78, %convert_element_type3A_104, %convert_element_type3A_130, %convert_element_type3A_156, %convert_element_type3A_182, %convert_element_type3A_208, %convert_element_type3A_234, %convert_element_type3A_260, %convert_element_type3A_286, %convert_element_type3A_312, %convert_element_type3A_338, %convert_element_type3A_364, %convert_element_type3A_390, %convert_element_type3A_416, %convert_element_type3A_442 in 1 : vector<40x128xbf16>, vector<40x128xbf16>, vector<40x128xbf16>, vector<40x128xbf16>, vector<40x128xbf16>, vector<40x128xbf16>, vector<40x128xbf16>, vector<40x128xbf16>, vector<40x128xbf16>, vector<40x128xbf16>, vector<40x128xbf16>, vector<40x128xbf16>, vector<40x128xbf16>, vector<40x128xbf16>, vector<40x128xbf16>, vector<40x128xbf16> -> vector<40x2048xbf16>
    %slice3A_445 = vector.extract_strided_slice %convert_element_type3A_23 {offsets = [0, 0], sizes = [1, 128], strides = [1, 1]} : vector<16x128xbf16> to vector<1x128xbf16>
    %slice3A_446 = vector.extract_strided_slice %convert_element_type3A_23 {offsets = [1, 0], sizes = [1, 128], strides = [1, 1]} : vector<16x128xbf16> to vector<1x128xbf16>
    %slice3A_447 = vector.extract_strided_slice %convert_element_type3A_23 {offsets = [2, 0], sizes = [1, 128], strides = [1, 1]} : vector<16x128xbf16> to vector<1x128xbf16>
    %slice3A_448 = vector.extract_strided_slice %convert_element_type3A_23 {offsets = [3, 0], sizes = [1, 128], strides = [1, 1]} : vector<16x128xbf16> to vector<1x128xbf16>
    %slice3A_449 = vector.extract_strided_slice %convert_element_type3A_23 {offsets = [4, 0], sizes = [1, 128], strides = [1, 1]} : vector<16x128xbf16> to vector<1x128xbf16>
    %slice3A_450 = vector.extract_strided_slice %convert_element_type3A_23 {offsets = [5, 0], sizes = [1, 128], strides = [1, 1]} : vector<16x128xbf16> to vector<1x128xbf16>
    %slice3A_451 = vector.extract_strided_slice %convert_element_type3A_23 {offsets = [6, 0], sizes = [1, 128], strides = [1, 1]} : vector<16x128xbf16> to vector<1x128xbf16>
    %slice3A_452 = vector.extract_strided_slice %convert_element_type3A_23 {offsets = [7, 0], sizes = [1, 128], strides = [1, 1]} : vector<16x128xbf16> to vector<1x128xbf16>
    %slice3A_453 = vector.extract_strided_slice %convert_element_type3A_23 {offsets = [8, 0], sizes = [1, 128], strides = [1, 1]} : vector<16x128xbf16> to vector<1x128xbf16>
    %slice3A_454 = vector.extract_strided_slice %convert_element_type3A_23 {offsets = [9, 0], sizes = [1, 128], strides = [1, 1]} : vector<16x128xbf16> to vector<1x128xbf16>
    %slice3A_455 = vector.extract_strided_slice %convert_element_type3A_23 {offsets = [10, 0], sizes = [1, 128], strides = [1, 1]} : vector<16x128xbf16> to vector<1x128xbf16>
    %slice3A_456 = vector.extract_strided_slice %convert_element_type3A_23 {offsets = [11, 0], sizes = [1, 128], strides = [1, 1]} : vector<16x128xbf16> to vector<1x128xbf16>
    %slice3A_457 = vector.extract_strided_slice %convert_element_type3A_23 {offsets = [12, 0], sizes = [1, 128], strides = [1, 1]} : vector<16x128xbf16> to vector<1x128xbf16>
    %slice3A_458 = vector.extract_strided_slice %convert_element_type3A_23 {offsets = [13, 0], sizes = [1, 128], strides = [1, 1]} : vector<16x128xbf16> to vector<1x128xbf16>
    %slice3A_459 = vector.extract_strided_slice %convert_element_type3A_23 {offsets = [14, 0], sizes = [1, 128], strides = [1, 1]} : vector<16x128xbf16> to vector<1x128xbf16>
    %slice3A_460 = vector.extract_strided_slice %convert_element_type3A_23 {offsets = [15, 0], sizes = [1, 128], strides = [1, 1]} : vector<16x128xbf16> to vector<1x128xbf16>
    %concatenate3A_461 = tpu.concatenate %slice3A_445, %slice3A_446, %slice3A_447, %slice3A_448, %slice3A_449, %slice3A_450, %slice3A_451, %slice3A_452, %slice3A_453, %slice3A_454, %slice3A_455, %slice3A_456, %slice3A_457, %slice3A_458, %slice3A_459, %slice3A_460 in 1 : vector<1x128xbf16>, vector<1x128xbf16>, vector<1x128xbf16>, vector<1x128xbf16>, vector<1x128xbf16>, vector<1x128xbf16>, vector<1x128xbf16>, vector<1x128xbf16>, vector<1x128xbf16>, vector<1x128xbf16>, vector<1x128xbf16>, vector<1x128xbf16>, vector<1x128xbf16>, vector<1x128xbf16>, vector<1x128xbf16>, vector<1x128xbf16> -> vector<1x2048xbf16>
    %slice3A_462 = vector.extract_strided_slice %convert_element_type3A_29 {offsets = [0, 0], sizes = [1, 128], strides = [1, 1]} : vector<16x128xbf16> to vector<1x128xbf16>
    %slice3A_463 = vector.extract_strided_slice %convert_element_type3A_29 {offsets = [1, 0], sizes = [1, 128], strides = [1, 1]} : vector<16x128xbf16> to vector<1x128xbf16>
    %slice3A_464 = vector.extract_strided_slice %convert_element_type3A_29 {offsets = [2, 0], sizes = [1, 128], strides = [1, 1]} : vector<16x128xbf16> to vector<1x128xbf16>
    %slice3A_465 = vector.extract_strided_slice %convert_element_type3A_29 {offsets = [3, 0], sizes = [1, 128], strides = [1, 1]} : vector<16x128xbf16> to vector<1x128xbf16>
    %slice3A_466 = vector.extract_strided_slice %convert_element_type3A_29 {offsets = [4, 0], sizes = [1, 128], strides = [1, 1]} : vector<16x128xbf16> to vector<1x128xbf16>
    %slice3A_467 = vector.extract_strided_slice %convert_element_type3A_29 {offsets = [5, 0], sizes = [1, 128], strides = [1, 1]} : vector<16x128xbf16> to vector<1x128xbf16>
    %slice3A_468 = vector.extract_strided_slice %convert_element_type3A_29 {offsets = [6, 0], sizes = [1, 128], strides = [1, 1]} : vector<16x128xbf16> to vector<1x128xbf16>
    %slice3A_469 = vector.extract_strided_slice %convert_element_type3A_29 {offsets = [7, 0], sizes = [1, 128], strides = [1, 1]} : vector<16x128xbf16> to vector<1x128xbf16>
    %slice3A_470 = vector.extract_strided_slice %convert_element_type3A_29 {offsets = [8, 0], sizes = [1, 128], strides = [1, 1]} : vector<16x128xbf16> to vector<1x128xbf16>
    %slice3A_471 = vector.extract_strided_slice %convert_element_type3A_29 {offsets = [9, 0], sizes = [1, 128], strides = [1, 1]} : vector<16x128xbf16> to vector<1x128xbf16>
    %slice3A_472 = vector.extract_strided_slice %convert_element_type3A_29 {offsets = [10, 0], sizes = [1, 128], strides = [1, 1]} : vector<16x128xbf16> to vector<1x128xbf16>
    %slice3A_473 = vector.extract_strided_slice %convert_element_type3A_29 {offsets = [11, 0], sizes = [1, 128], strides = [1, 1]} : vector<16x128xbf16> to vector<1x128xbf16>
    %slice3A_474 = vector.extract_strided_slice %convert_element_type3A_29 {offsets = [12, 0], sizes = [1, 128], strides = [1, 1]} : vector<16x128xbf16> to vector<1x128xbf16>
    %slice3A_475 = vector.extract_strided_slice %convert_element_type3A_29 {offsets = [13, 0], sizes = [1, 128], strides = [1, 1]} : vector<16x128xbf16> to vector<1x128xbf16>
    %slice3A_476 = vector.extract_strided_slice %convert_element_type3A_29 {offsets = [14, 0], sizes = [1, 128], strides = [1, 1]} : vector<16x128xbf16> to vector<1x128xbf16>
    %slice3A_477 = vector.extract_strided_slice %convert_element_type3A_29 {offsets = [15, 0], sizes = [1, 128], strides = [1, 1]} : vector<16x128xbf16> to vector<1x128xbf16>
    %concatenate3A_478 = tpu.concatenate %slice3A_462, %slice3A_463, %slice3A_464, %slice3A_465, %slice3A_466, %slice3A_467, %slice3A_468, %slice3A_469, %slice3A_470, %slice3A_471, %slice3A_472, %slice3A_473, %slice3A_474, %slice3A_475, %slice3A_476, %slice3A_477 in 1 : vector<1x128xbf16>, vector<1x128xbf16>, vector<1x128xbf16>, vector<1x128xbf16>, vector<1x128xbf16>, vector<1x128xbf16>, vector<1x128xbf16>, vector<1x128xbf16>, vector<1x128xbf16>, vector<1x128xbf16>, vector<1x128xbf16>, vector<1x128xbf16>, vector<1x128xbf16>, vector<1x128xbf16>, vector<1x128xbf16>, vector<1x128xbf16> -> vector<1x2048xbf16>
    %broadcast_in_dim3A = arith.constant 0.000000e+00 : bf16
    %broadcast_in_dim3A_479 = vector.broadcast %broadcast_in_dim3A : bf16 to vector<6x2048xbf16>
    %concatenate3A_480 = tpu.concatenate %concatenate3A_461, %concatenate3A_478, %broadcast_in_dim3A_479, %concatenate3A_443, %concatenate3A_444 in 0 : vector<1x2048xbf16>, vector<1x2048xbf16>, vector<6x2048xbf16>, vector<40x2048xbf16>, vector<40x2048xbf16> -> vector<88x2048xbf16>
    %get3A_481 = arith.constant 0 : index
    %get3A_482 = arith.constant 0 : index
    %get3A_483 = vector.load %arg6[%get3A_481, %get3A_482] : memref<88x128xbf16, #tpu.memory_space<vmem>>, vector<88x128xbf16>
    %dot_general3A_484 = arith.constant dense<0.000000e+00> : vector<2048x128xf32>
    %dot_general3A_485 = tpu.matmul %concatenate3A_480, %get3A_483, %dot_general3A_484 {dimension_numbers = #tpu.dot_dimension_numbers<[0], [0], [1], [1], [0, 1, 1, 1], [], []>, transpose_lhs_hint = false} : vector<88x2048xbf16>, vector<88x128xbf16>, vector<2048x128xf32> -> vector<2048x128xf32>
    %mul3A = arith.mulf %dot_general3A_485, %dot_general3A_485 : vector<2048x128xf32>
    %get3A_486 = arith.constant 0 : index
    %get3A_487 = arith.constant 0 : index
    %get3A_488 = vector.load %arg9[%get3A_486, %get3A_487] : memref<1x1xf32, #tpu.memory_space<vmem>>, vector<1x1xf32>
    %get3A_489 = vector.extract %get3A_488[0, 0] : f32 from vector<1x1xf32>
    %add3A_490 = vector.broadcast %get3A_489 : f32 to vector<2048x128xf32>
    %add3A_491 = arith.addf %mul3A, %add3A_490 : vector<2048x128xf32>
    %convert_element_type3A_492 = arith.truncf %add3A_491 : vector<2048x128xf32> to vector<2048x128xbf16>
    %get3A_493 = arith.constant 0 : index
    %get3A_494 = arith.constant 0 : index
    %get3A_495 = vector.load %arg7[%get3A_493, %get3A_494] : memref<128x128xbf16, #tpu.memory_space<vmem>>, vector<128x128xbf16>
    %dot_general3A_496 = arith.constant dense<0.000000e+00> : vector<2048x128xf32>
    %dot_general3A_497 = tpu.matmul %convert_element_type3A_492, %get3A_495, %dot_general3A_496 {dimension_numbers = #tpu.dot_dimension_numbers<[1], [0], [0], [1], [0, 0, 1, 1], [], []>, transpose_lhs_hint = false} : vector<2048x128xbf16>, vector<128x128xbf16>, vector<2048x128xf32> -> vector<2048x128xf32>
    %rsqrt3A = math.rsqrt %dot_general3A_497 : vector<2048x128xf32>
    %mul3A_498 = arith.mulf %dot_general3A_485, %rsqrt3A : vector<2048x128xf32>
    %get3A_499 = arith.constant 0 : index
    %get3A_500 = arith.constant 0 : index
    %get3A_501 = vector.load %arg8[%get3A_499, %get3A_500] : memref<1x128xf32, #tpu.memory_space<vmem>>, vector<1x128xf32>
    %add3A_502 = vector.broadcast %get3A_501 : vector<1x128xf32> to vector<2048x128xf32>
    %add3A_503 = arith.addf %mul3A_498, %add3A_502 : vector<2048x128xf32>
    %swap3A = arith.constant 0 : index
    %swap3A_504 = arith.constant 0 : index
    %swap3A_505 = vector.load %arg10[%swap3A, %swap3A_504] : memref<2048x128xf32, #tpu.memory_space<vmem>>, vector<2048x128xf32>
    tpu.vector_store %arg10[%swap3A, %swap3A_504], %add3A_503 {strides = array<i32>} : memref<2048x128xf32, #tpu.memory_space<vmem>>, vector<2048x128xf32>,
    return
  }
  func.func @transform_0(%arg0: i32) -> (i32, i32) {
    %c0_i32 = arith.constant 0 : i32
    %c0_i32_0 = arith.constant 0 : i32
    return %arg0, %c0_i32 : i32, i32
  }
  func.func @transform_1(%arg0: i32) -> (i32, i32) {
    %c0_i32 = arith.constant 0 : i32
    %c0_i32_0 = arith.constant 0 : i32
    return %arg0, %c0_i32 : i32, i32
  }
  func.func @transform_2(%arg0: i32) -> (i32, i32) {
    %c0_i32 = arith.constant 0 : i32
    %c0_i32_0 = arith.constant 0 : i32
    return %arg0, %c0_i32 : i32, i32
  }
  func.func @transform_3(%arg0: i32) -> (i32, i32) {
    %c0_i32 = arith.constant 0 : i32
    %c0_i32_0 = arith.constant 0 : i32
    %c0_i32_1 = arith.constant 0 : i32
    return %c0_i32, %c0_i32_0 : i32, i32
  }
  func.func @transform_4(%arg0: i32) -> (i32, i32) {
    %c0_i32 = arith.constant 0 : i32
    %c0_i32_0 = arith.constant 0 : i32
    %c0_i32_1 = arith.constant 0 : i32
    return %c0_i32, %c0_i32_0 : i32, i32
  }
  func.func @transform_5(%arg0: i32) -> (i32, i32) {
    %c0_i32 = arith.constant 0 : i32
    %c0_i32_0 = arith.constant 0 : i32
    %c0_i32_1 = arith.constant 0 : i32
    return %c0_i32, %c0_i32_0 : i32, i32
  }
  func.func @transform_6(%arg0: i32) -> (i32, i32) {
    %c0_i32 = arith.constant 0 : i32
    %c0_i32_0 = arith.constant 0 : i32
    %c0_i32_1 = arith.constant 0 : i32
    return %c0_i32, %c0_i32_0 : i32, i32
  }
  func.func @transform_7(%arg0: i32) -> (i32, i32) {
    %c0_i32 = arith.constant 0 : i32
    %c0_i32_0 = arith.constant 0 : i32
    %c0_i32_1 = arith.constant 0 : i32
    return %c0_i32, %c0_i32_0 : i32, i32
  }
  func.func @transform_8(%arg0: i32) -> (i32, i32) {
    %c0_i32 = arith.constant 0 : i32
    %c0_i32_0 = arith.constant 0 : i32
    %c0_i32_1 = arith.constant 0 : i32
    return %c0_i32, %c0_i32_0 : i32, i32
  }
  func.func @transform_9(%arg0: i32) -> (i32, i32) {
    %c0_i32 = arith.constant 0 : i32
    %c0_i32_0 = arith.constant 0 : i32
    return %arg0, %c0_i32 : i32, i32
  }
}

</mosaic_0001>

<sc_bundles>
// kernel: sparse-core-data-format-call.cloned.1.call-start
scs
called_computation_lowered:
.L_overlay_start_0:
0x0: {  	s2 =	sld [smem:$0x3FD9]  }
0x1: {  	s3 =	sld [smem:$0x3FFE];
	_ =	sdelay $0x1  }
0x2: {  	s1 =	srdreg.scid  }
0x3: {  	s0 =	sand.u32 $0x1, s1  }
0x4: {  	s18 =	sshll.u32 s0, $0xA;
	s2 =	sadd.s32 s3, s2  }
0x5: {  	s2 =	sadd.s32 s2, s18  }
0x6: {  	[smem:$0x3FBF] =	sst s2  }
0x7: {  	_ = 	snop  }
0x8: {  	s2 =	sld [smem:$0x3FD0];
	(tm) =	ssettm $0x1  }
0x9: {  	s19 =	sld [smem:$0x3FFB];
	_ =	sdelay $0x3  }
0xa: {  	_ =	strace s19  }
0xb: {  	s3 =	sld [smem:$0x3FFC];
	_ =	sdelay $0x3  }
0xc: {  	_ =	strace s3  }
0xd: {  	s3 =	sld [smem:$0x3FFD];
	_ =	sdelay $0x3  }
0xe: {  	_ =	strace s3  }
0xf: {  	_ =	strace $0x8FFFFFFF  }
0x10: {  	s20 =	sld [smem:$0x3FDB];
	_ =	sdelay $0x1  }
0x11: {  	s4 =	simm.s32 $_scs_section_size  }
0x12: {  	s5 =	simm.s32 $_size__tile_overlayer_lowered;
	s6 =	simm.s32 $_tile_overlayer_lowered  }
0x13: {  	s23 =	simm.s32 $0x1BFF;
	s22 =	sshll.u32 s6, $0x1;
	s3 =	sadd.s32 s4, s20  }
0x14: {  	s7 =	simm.s32 $0x0;
	s21 =	sshll.u32 s5, $0x1;
	s5 =	sadd.s32 s22, s3  }
0x15: {  	[timem:s7], [sflag:s23] =	dma.local [hbm:s5], s21  }
0x16: {  	_ =	swait.ge [sflag:s23], s21  }
0x17: {  	s4 =	ssub.s32 $0x0, s21;
	[sflag:s23] =	ssyncset.done $0x0  }
0x18: {  	[sflag:s23] =	ssyncadd.s32 s4;
	_ =	sdelay $0x1  }
0x19: {  	s24 =	simm.s32 $0x1B8B  }
0x1a: {  	_ =	swait.ge [sflag:s24], $0x1  }
0x1b: {  	[sflag:s24] =	ssyncset.done $0x0  }
0x1c: {  	s26 =	simm.s32 $0x1B8E;
	s25 =	sld [smem:$0x3FFE];
	[sflag:s24] =	ssyncadd.s32 $0xFFFFFFFF  }
0x1d: {  	s27 =	simm.s32 $execute0_lowered;
	[smem:$0x3FD2] =	sst s26  }
0x1e: {  	s5 =	sshll.u32 s27, $0x1;
	_ =	strace $0x80000046;
	[dreg:$0x1] =	wrdreg $0xFFFFFFFF  }
0x1f: {  	s28 =	simm.s32 $_size_execute0_lowered;
	s3 =	sadd.s32 s3, s5;
	[dreg:$0x0] =	wrdreg $0x0  }
0x20: {  	s5 =	sshll.u32 s28, $0x1;
	[dreg:$0x2] =	wrdreg s3  }
0x21: {  	[dreg:$0x3] =	wrdreg s5  }
0x22: {  	[dreg:$0x4] =	wrdreg $0xC0  }
0x23: {  	_ =	task [dreg:s7], $0x5FFFF  }
0x24: {  	[dreg:$0x1] =	wrdreg $0xFFFFFFFF  }
0x25: {  	[dreg:$0x0] =	wrdreg $0x60  }
0x26: {  	[dreg:$0x2] =	wrdreg s25  }
0x27: {  	[dreg:$0x3] =	wrdreg s2  }
0x28: {  	[dreg:$0x4] =	wrdreg $0x9  }
0x29: {  	_ =	task.clear_ibuf [dreg:s7], $0x5FFFF;
	_ =	strace $0x90000046  }
0x2a: {  	s29 =	simm.s32 $0x9;
	_ =	strace $0x80000048  }
0x2b: {  	_ =	swait.ge [sflag:s29], $0x1  }
0x2c: {  	[sflag:s29] =	ssyncadd.s32 $0xFFFFFFFF  }
0x2d: {  	_ =	strace $0x90000048  }
0x2e: {  	_ =	sfence  }
0x2f: {  	s30 =	sld [smem:$0x0];
	_ =	sdelay $0x2  }
0x30: {  	s31 =	sshll.u32 s1, $0xD;
	s1 =	sshrl.u32 s1, $0x2  }
0x31: {  	s3 =	sand.u32 $0x4000, s31;
	s1 =	sadd.s32 s1, s30  }
0x32: {  	s0 =	sor.u32 s3, s0;
	s1 =	sshll.u32 s1, $0x11  }
0x33: {  	s0 =	sor.u32 s1, s0  }
0x34: {  	s0 =	sadd.s32 $0x8F2B, s0  }
0x35: {  	[sflag:s0] =	ssyncadd.remote.s32 $0x1  }
0x36: {  	_ =	sfence.sel $0xFFFF  }
0x37: {  	[dreg:$0x0] =	wrdreg $0xFFFFFFFF;
	(pc) =	sbr.abs _section_cstart, $3  }
0x38: {  	[dreg:$0x1] =	wrdreg $0xFFFFFFFF  }
0x39: {  	_ =	task.clear_ibuf [dreg:s7], $0x2FFFF;
	_ =	strace $0x9FFFFFFF  }
0x3a: {  	(tm) =	ssettm $0x7FFFFFFF  }
0x3b: {  	_ =	shalt  }
tec
execute0_lowered:
.L_overlay_start_1:
0x0: {  	(tag) =	ssettag $0x1  }
0x1: {  	s0 =	srdreg.scid  }
0x2: {  	s1 =	sshll.u32 s0, $0x4  }
0x3: {  	s0 =	stileid.u32;
	s1 =	sand.u32 $0x10, s1  }
0x4: {  	s1 =	sor.u32 s0, s1  }
0x5: {  	s6 =	rddreg [dreg:$0x0];
	s4 =	simm.s32 $0x1;
	s2 =	sshll.u32 s1, $0x7  }
0x6: {  	s7 =	simm.s32 $0x2;
	s12 =	simm.s32 $0x0;
	s1 =	ssub.s32 $0x1000, s2  }
0x7: {  	s8 =	simm.s32 $0x8000;
	s13 =	simm.s32 $0x0;
	s3 =	sand.u32 $0xF80, s1  }
0x8: {  	s9 =	simm.s32 $0x0;
	s5 =	sshrl.u32 s1, $0xC;
	p0 =	sne.s32 s3, $0x0  }
.Ltmp0:
0x9: {  	s1 =	rddreg [dreg:$0x2];
	s4 =	simm.s32 @!p0 $0x0;
	(pc) =	sbr.rel .LBB1_1-.Ltmp0, $4  }
0xa: {  	s11 =	simm.s32 $0x0;
	s3 =	rddreg [dreg:$0x1];
	s5 =	sadd.s32 s4, s5  }
0xb: {  	_ =	strace $0x80000047;
	s4 =	simm.s32 $0x1;
	s5 =	smul.u32 $0xC8, s5  }
0xc: {  	s6 =	sadd.s32 $0xE00, s6;
	s10 =	smov.u32 s2;
	[sflag:s4] =	ssyncpa.u1 $0x0  }
0xd: {  	p0 =	por $0x0, $0x0;
	[sflag:s7] =	ssyncpa.u1 $0x0;
	s7 =	sor.u32 $0x1, s5  }
.LBB1_4:
0xe: {  	s16 =	sshll.u32 s13, $0x3;
	s17 =	sand.u32 $0x78, s13  }
0xf: {  	s30 =	sand.u32 $0x7E00, s13;
	s12 =	sshll.u32 s12, $0xF;
	s16 =	sand.u32 $0xC00, s16  }
0x10: {  	[tilespmem:s15+$0x810 ss:$0x81] =	vst.msk $0xffff, v2;
	s31 =	sand.u32 $0x7, s13;
	s16 =	sor.u32 s17, s16;
	s17 =	sadd.s32 s3, s30  }
0x11: {  	[tilespmem:s15+$0x1020 ss:$0x81] =	vst.msk $0xffff, v0;
	s13 =	sshll.u32 s31, $0x12;
	s12 =	sadd.s32 s12, s17;
	s16 =	sshrl.u32 s16, $0x3  }
0x12: {  	[tilespmem:s15+$0x0 ss:$0x81] =	vst.msk $0xffff, v1;
	s13 =	sor.u32 $0x400, s13;
	s12 =	sadd.s32 s16, s12  }
0x13: {  	[hbm4b:s12+s13] =	stream.strided.scatter [tilespmem:s14], [sflag:$0x2], $0x2000, s8, s13, $0x20;
	[tilespmem:$0x8080] =	vst v63  }
.LBB1_5:
0x14: {  	s14 =	sadd.s32 $0x1, s9  }
0x15: {  	s12 =	sadd.s32 $0x1000, s10;
	s16 =	smov.u32 s10;
	p2 =	sgt.s32 s14, $0xC7  }
0x16: {  	s16 =	smov.u32 @p2 s12  }
0x17: {  	s14 =	simm.s32 @p2 $0x0;
	p2 =	sgt.s32 s16, $0xFFF  }
0x18: {  	s16 =	smov.u32 @p2 s2;
	p2 =	sne.s32 s11, s7  }
.Ltmp1:
0x19: {  	p1 =	slt.u32 s11, $0x2;
	(pc) =	sbr.rel @!p2 .LBB1_6-.Ltmp1, $4  }
0x1a: {  	s15 =	simm.s32 @!p1 $0x2  }
0x1b: {  	s13 =	smov.u32 s10;
	p0 =	por !p0, !p0;
	_ =	swait.ge @!p1 [sflag:s15], $0x2000  }
0x1c: {  	s12 =	smov.u32 s9;
	[sflag:s15] =	ssyncset.done @!p1 $0x0;
	s9 =	smov.u32 s14  }
0x1d: {  	s11 =	sadd.s32 $0x1, s11;
	[sflag:s15] =	ssyncadd.s32 @!p1 $0xFFFFE000;
	s10 =	smov.u32 s16  }
.LBB1_1:
0x1e: {  	p1 =	sge.u32 s11, s5  }
0x1f: {  	s14 =	sand.u32 @!p1 $0x1FFFFFF, s9  }
0x20: {  	s15 =	smulhi.u32 @!p1 $0x147AE15, s14;
	_ =	sdelay $0x1  }
0x21: {  	s15 =	smul.u32 @!p1 $0xC8, s15  }
0x22: {  	s16 =	sxor.u32 @!p1 $0xFFFFFFFF, s11;
	s17 =	smul.u32 @!p1 $0xC80, s10  }
0x23: {  	s31 =	sadd.s32 $0xFFFFFFFF, s11;
	s16 =	sshll.u32 @!p1 s16, $0xD;
	s14 =	ssub.s32 @!p1 s14, s15  }
0x24: {  	s15 =	sand.u32 @!p1 $0x2000, s16;
	s16 =	sadd.s32 @!p1 s6, s17;
	s14 =	sshll.u32 @!p1 s14, $0x4  }
0x25: {  	s17 =	simm.s32 @!p1 $0x6400;
	s14 =	sadd.s32 @!p1 s14, s16;
	s16 =	simm.s32 @!p1 $0x40  }
0x26: {  	[tilespmem:s15], [sflag:$0x1] =	stream.strided.gather @!p1 [hbm4b:s14+s16], $0x2000, s17, s16, $0x38;
	[tilespmem:$0x8080] =	vst v63  }
0x27: {  	p1 =	sge.u32 s31, s5  }
.Ltmp2:
0x28: {  	_ = 	snop;
	(pc) =	sbr.rel @p1 .LBB1_5-.Ltmp2, $1  }
0x29: {  	_ =	sdelay $0x3  }
0x2a: {  	s14 =	simm.s32 $0x1  }
0x2b: {  	_ =	swait.ge [sflag:s4], $0x2000;
	s14 =	simm.s32 @!p0 $0x0  }
0x2c: {  	[sflag:s4] =	ssyncset.done $0x0;
	s15 =	sshll.u32 s14, $0xD  }
0x2d: {  	[sflag:s4] =	ssyncadd.s32 $0xFFFFE000;
	s18 =	sor.u32 $0x20, s15  }
0x2e: {  	s14 =	smul.u32 $0x8100, s14;
	v3 =	vld [tilespmem:s18+$0x10]  }
0x2f: {  	s30 =	sand.u32 $0x1, s11;
	v2 =	vld [tilespmem:s18+$0xFFFFFFF0]  }
0x30: {  	s15 =	smul.u32 $0x8100, s30;
	s14 =	sshrl.u32 s14, $0x2;
	v0 =	vld [tilespmem:s18+$0x0]  }
0x31: {  	v1 =	vld [tilespmem:s18+$0xFFFFFFE0];
	s16 =	sor.u32 $0x4000, s14  }
0x32: {  	s31 =	sshrl.u32 s15, $0x2;
	s15 =	sadd.s32 $0x0, s16  }
0x33: {  	s17 =	simm.s32 $0x4;
	s18 =	sadd.s32 $0x40, s18;
	s14 =	sor.u32 $0x4000, s31;
	[tilespmem:s15+$0x1830 ss:$0x81] =	vst.msk $0xffff, v3  }
.LBB1_3:
0x34: {  	v3 =	vld [tilespmem:s18+$0x10];
	p1 =	sne.s32 s17, $0x1FC;
	[tilespmem:s15+$0x810 ss:$0x81] =	vst.msk $0xffff, v2;
	s19 =	smov.u32 s17;
	s17 =	sadd.s32 $0x4, s17  }
.Ltmp3:
0x35: {  	v2 =	vld [tilespmem:s18+$0xFFFFFFF0];
	[tilespmem:s15+$0x1020 ss:$0x81] =	vst.msk $0xffff, v0;
	(pc) =	sbr.rel @p1 .LBB1_3-.Ltmp3, $4  }
0x36: {  	v0 =	vld [tilespmem:s18+$0x0];
	[tilespmem:s15+$0x0 ss:$0x81] =	vst.msk $0xffff, v1  }
0x37: {  	s15 =	sshra.s32 s19, $0x2;
	v1 =	vld [tilespmem:s18+$0xFFFFFFE0]  }
0x38: {  	s15 =	sadd.s32 s15, s16  }
0x39: {  	s18 =	sadd.s32 $0x40, s18;
	[tilespmem:s15+$0x1830 ss:$0x81] =	vst.msk $0xffff, v3  }
.Ltmp4:
0x3a: {  	_ = 	snop;
	(pc) =	sbr.rel .LBB1_4-.Ltmp4, $1  }
0x3b: {  	_ =	sdelay $0x3  }
.LBB1_6:
0x3c: {  	_ =	sfence.sel $0x180000  }
0x3d: {  	s2 =	simm.s32 $0x1;
	[bflag:$0x0] =	sbarrier.arrive $0xFFFF  }
0x3e: {  	s31 =	simm.s32 $0x2;
	[sflag:s2] =	ssyncpa.u1 $0x1  }
0x3f: {  	[sflag:s31] =	ssyncpa.u1 $0x1  }
0x40: {  	p0 =	sne.s32 s0, $0x0;
	_ =	strace $0x90000047  }
0x41: {  	s0 =	sadd.s32 @!p0 $0x100000, s1;
	[bflag:$0x2] =	sbarrier.arrive $0xFFFF  }
0x42: {  	[sflag:s0] =	ssyncadd.tile.s32 @!p0 $0x1;
	_ =	shalt  }
.Lfunc_end1:
_tile_overlayer_lowered:
.L_overlay_start_2:
0x43: {  	(tag) =	ssettag $0x2  }
0x44: {  	s0 =	rddreg [dreg:$0x0];
	s2 =	stileid.u32  }
0x45: {  	s1 =	rddreg [dreg:$0x1];
	p0 =	sne.s32 s2, $0x0  }
0x46: {  	s3 =	rddreg [dreg:$0x2];
	[bflag:$0x3] =	sbarrier.arrive $0xFFFF;
	s2 =	simm.s32 @!p0 $0x1C01  }
0x47: {  	[timem:s3], [sflag:s2] =	dma.local @!p0 [hbm:s0], s1  }
0x48: {  	s0 =	simm.s32 @!p0 $0x1  }
0x49: {  	_ =	swait.ge @!p0 [sflag:s0], s1  }
0x4a: {  	s1 =	ssub.s32 @!p0 $0x0, s1;
	[sflag:s0] =	ssyncset.done @!p0 $0x0  }
0x4b: {  	[sflag:s0] =	ssyncadd.s32 @!p0 s1  }
0x4c: {  	[bflag:$0x3] =	sbarrier.arrive $0xFFFF  }
0x4d: {  	_ =	shalt  }

</sc_bundles>
